<compile_context>
chip_gen: v7x
topology: tpu7x:2x2x1
jax: 0.10.2.dev20260603
libtpu: 0.0.44.dev20260713+nightly
codegen_flags: <defaults>
</compile_context>

<pallas_src>
import functools

import jax
import jax.numpy as jnp
import numpy as np
from jax import lax
from jax.experimental import pallas as pl
from jax.experimental.pallas import tpu as pltpu
from jax.experimental.pallas import tpu_sc as plsc


def _sc_gather(emb, idx):
    g, d = emb.shape
    info = plsc.get_sparse_core_info()
    nc, ns = info.num_cores, info.num_subcores
    nw = nc * ns
    b_per_w = 32
    assert (nw - 1) * b_per_w < g <= nw * b_per_w and (g - b_per_w) % 8 == 0

    mesh = plsc.VectorSubcoreMesh(core_axis_name="c", subcore_axis_name="s")

    @functools.partial(
        pl.kernel,
        mesh=mesh,
        out_type=(
            jax.ShapeDtypeStruct((g, d), jnp.float32),
            jax.ShapeDtypeStruct((g,), jnp.int32),
        ),
        scratch_types=[
            pltpu.VMEM((b_per_w,), jnp.int32),
            pltpu.VMEM((b_per_w, d), jnp.float32),
            pltpu.SemaphoreType.DMA,
            pltpu.SemaphoreType.DMA,
        ],
    )
    def gather_kernel(table_hbm, idx_hbm, feat_hbm, idxo_hbm, idx_v, rows_v, sem, sem2):
        wid = lax.axis_index("s") * nc + lax.axis_index("c")
        base = jnp.minimum(wid * b_per_w, g - b_per_w)
        pltpu.sync_copy(idx_hbm.at[pl.ds(base, b_per_w)], idx_v)
        c2 = pltpu.async_copy(idx_v, idxo_hbm.at[pl.ds(base, b_per_w)], sem2)
        pltpu.async_copy(table_hbm.at[idx_v], rows_v, sem).wait()
        pltpu.sync_copy(rows_v, feat_hbm.at[pl.ds(base, b_per_w)])
        c2.wait()

    return gather_kernel(emb, idx)


def _tc_body(xt_ref, f_ref, s_ref, b_ref, o_ref):
    xtb = xt_ref[...].astype(jnp.bfloat16)
    fb = f_ref[...].astype(jnp.bfloat16)
    h = lax.dot_general(
        xtb, fb, (((0,), (0,)), ((), ())), preferred_element_type=jnp.float32
    )
    h = 0.5 * h * (1.0 + lax.erf(h * np.float32(1.0 / np.sqrt(2.0))))
    mu = jnp.mean(h, axis=-1, keepdims=True)
    m2 = jnp.mean(h * h, axis=-1, keepdims=True)
    var = m2 - mu * mu
    inv = lax.rsqrt(var + np.float32(1e-5))
    o_ref[...] = (h - mu) * (inv * s_ref[...]) + b_ref[...]


def _tc_main(x, feature, ln_scale, ln_bias, bm=2048):
    batch, g = x.shape
    d = feature.shape[1]
    xt = x.T
    return pl.pallas_call(
        _tc_body,
        grid=(batch // bm,),
        in_specs=[
            pl.BlockSpec((g, bm), lambda i: (0, i)),
            pl.BlockSpec((g, d), lambda i: (0, 0)),
            pl.BlockSpec((1, d), lambda i: (0, 0)),
            pl.BlockSpec((1, d), lambda i: (0, 0)),
        ],
        out_specs=pl.BlockSpec((bm, d), lambda i: (i, 0)),
        out_shape=jax.ShapeDtypeStruct((batch, d), jnp.float32),
        compiler_params=pltpu.CompilerParams(
            dimension_semantics=("parallel",),
        ),
    )(xt, feature, ln_scale.reshape(1, d), ln_bias.reshape(1, d))


def kernel(x, input_gene_idx, emb, ln_scale, ln_bias):
    feature, idx_out = _sc_gather(emb, input_gene_idx)
    out = _tc_main(x, feature, ln_scale, ln_bias)
    return (out, idx_out)

# --- scband reference (transcript-rebuilt; emitter-appended) ---
"""Pipeline reference for scband-embedder-24489903521982 (READ-ONLY COPY).

The authoritative reference and input builder live on the scoring server;
editing this copy changes nothing except your own understanding.
"""

import jax, jax.numpy as jnp
import numpy as np

NUM_GENES = 1000
NUM_HIDDEN = 512
BATCH = 16384


def _layernorm(h, scale, bias, eps=1e-5):
    mu = jnp.mean(h, axis=-1, keepdims=True)
    var = jnp.var(h, axis=-1, keepdims=True)
    return (h - mu) / jnp.sqrt(var + eps) * scale + bias


def setup_inputs(seed: int = 0) -> dict:
    key = jax.random.key(seed)
    k1, k2, k3 = jax.random.split(key, 3)
    # dense stand-in for the sparse cell-by-gene expression matrix
    x = jax.random.uniform(k1, (BATCH, NUM_GENES), dtype=jnp.float32)
    # explicit gene index list selecting rows of the pretrained embedding table
    input_gene_idx = jax.random.randint(k2, (NUM_GENES,), 0, NUM_GENES, dtype=jnp.int32)
    # learned params: gene embedding table (init * 0.005 like the torch module) + layernorm affine
    emb = jax.random.normal(k3, (NUM_GENES, NUM_HIDDEN), dtype=jnp.float32) * 0.005
    ln_scale = jnp.ones((NUM_HIDDEN,), dtype=jnp.float32)
    ln_bias = jnp.zeros((NUM_HIDDEN,), dtype=jnp.float32)
    return {"x": x, "input_gene_idx": input_gene_idx, "emb": emb, "ln_scale": ln_scale, "ln_bias": ln_bias}


def reference(x, input_gene_idx, emb, ln_scale, ln_bias):
    # F.embedding(gene_idx, self.emb) -> row gather
    feature = jnp.take(emb, input_gene_idx, axis=0)
    # torch.sparse.mm(x, feature): x is (sparse) [B, G], feature [G, H]
    out = x @ feature
    # post_layer: gelu -> layernorm -> dropout(p=0.0, identity at eval)
    out = jax.nn.gelu(out, approximate=False)
    out = _layernorm(out, ln_scale, ln_bias)
    return (out, input_gene_idx)

if __name__ == "__main__":
    import jax
    _d = setup_inputs()
    print(jax.jit(kernel)(*tuple(_d.values())))

</pallas_src>

<mosaic_0001>
#map = affine_map<(d0, d1) -> (0, 0)>
#map1 = affine_map<(d0, d1) -> (0)>
module attributes {stable_mosaic.version = 14 : i64} {
  func.func @gather_kernel(%arg0: i32, %arg1: i32, %arg2: memref<1000x512xf32, #tpu.memory_space<hbm>>, %arg3: memref<1000xi32, #tpu.memory_space<hbm>>, %arg4: memref<1000x512xf32, #tpu.memory_space<hbm>>, %arg5: memref<1000xi32, #tpu.memory_space<hbm>>, %arg6: memref<32xi32, #tpu.memory_space<vmem>>, %arg7: memref<32x512xf32, #tpu.memory_space<vmem>>, %arg8: memref<!tpu.dma_semaphore, #tpu.memory_space<semaphore_mem>>, %arg9: memref<!tpu.dma_semaphore, #tpu.memory_space<semaphore_mem>>) attributes {dimension_semantics = [#tpu.dimension_semantics<core_parallel>, #tpu.dimension_semantics<subcore_parallel>], iteration_bounds = array<i64: 2, 16>, scalar_prefetch = 0 : i64, scratch_operands = 4 : i64, tpu.core_type = #tpu.core_type<sc_vector_subcore>, window_params = [{transform_indices = #map}, {transform_indices = #map1}, {transform_indices = #map}, {transform_indices = #map1}]} {
    %mul3A = arith.constant 2 : i32
    %mul3A_0 = arith.muli %arg1, %mul3A : i32
    %add3A = arith.addi %mul3A_0, %arg0 : i32
    %mul3A_1 = arith.constant 32 : i32
    %mul3A_2 = arith.muli %add3A, %mul3A_1 : i32
    %min3A = arith.constant 968 : i32
    %min3A_3 = arith.minsi %mul3A_2, %min3A : i32
    "tpu.region"() ({
      %run_scoped3A = tpu.sem_alloc : memref<!tpu.dma_semaphore, #tpu.memory_space<semaphore_mem>>
      %dma_start3A_12 = tpu.memref_slice %arg3[%min3A_3] : memref<1000xi32, #tpu.memory_space<hbm>> -> memref<32xi32, #tpu.memory_space<hbm>>
      %dma_start3A_13 = tpu.memref_slice %arg3[%min3A_3] : memref<1000xi32, #tpu.memory_space<hbm>> -> memref<32xi32, #tpu.memory_space<hbm>>
      tpu.enqueue_dma source(%dma_start3A_13 : memref<32xi32, #tpu.memory_space<hbm>>) target(%arg6 : memref<32xi32, #tpu.memory_space<vmem>>) target_semaphore(%run_scoped3A : memref<!tpu.dma_semaphore, #tpu.memory_space<semaphore_mem>>)
      %dma_wait3A_14 = tpu.memref_slice %arg3[%min3A_3] : memref<1000xi32, #tpu.memory_space<hbm>> -> memref<32xi32, #tpu.memory_space<hbm>>
      %dma_wait3A_15 = tpu.memref_slice %arg3[%min3A_3] : memref<1000xi32, #tpu.memory_space<hbm>> -> memref<32xi32, #tpu.memory_space<hbm>>
      tpu.wait_dma2 semaphore(%run_scoped3A : memref<!tpu.dma_semaphore, #tpu.memory_space<semaphore_mem>>) src(%dma_wait3A_15 : memref<32xi32, #tpu.memory_space<hbm>>) dst(%arg6 : memref<32xi32, #tpu.memory_space<vmem>>)
      tpu.yield
    }) : () -> ()
    %dma_start3A = tpu.memref_slice %arg5[%min3A_3] : memref<1000xi32, #tpu.memory_space<hbm>> -> memref<32xi32, #tpu.memory_space<hbm>>
    %dma_start3A_4 = tpu.memref_slice %arg5[%min3A_3] : memref<1000xi32, #tpu.memory_space<hbm>> -> memref<32xi32, #tpu.memory_space<hbm>>
    tpu.enqueue_dma source(%arg6 : memref<32xi32, #tpu.memory_space<vmem>>) target(%dma_start3A_4 : memref<32xi32, #tpu.memory_space<hbm>>) target_semaphore(%arg9 : memref<!tpu.dma_semaphore, #tpu.memory_space<semaphore_mem>>)
    %dma_start3A_5 = arith.constant 0 : i32
    %dma_start3A_6 = arith.constant 0 : i32
    %dma_start3A_7 = tpu.memref_slice %arg2[%dma_start3A_5, %dma_start3A_6] : memref<1000x512xf32, #tpu.memory_space<hbm>> -> memref<1000x512xf32, #tpu.memory_space<hbm>>
    tpu.enqueue_indirect_dma source(%dma_start3A_7 : memref<1000x512xf32, #tpu.memory_space<hbm>>) target(%arg7 : memref<32x512xf32, #tpu.memory_space<vmem>>) offsets(%arg6 : memref<32xi32, #tpu.memory_space<vmem>>) semaphore(%arg8 : memref<!tpu.dma_semaphore, #tpu.memory_space<semaphore_mem>>)
    %dma_wait3A = arith.constant 0 : i32
    %dma_wait3A_8 = arith.constant 0 : i32
    %dma_wait3A_9 = tpu.memref_slice %arg2[%dma_wait3A, %dma_wait3A_8] : memref<1000x512xf32, #tpu.memory_space<hbm>> -> memref<1000x512xf32, #tpu.memory_space<hbm>>
    tpu.wait_indirect_dma semaphore(%arg8 : memref<!tpu.dma_semaphore, #tpu.memory_space<semaphore_mem>>) src(%dma_wait3A_9 : memref<1000x512xf32, #tpu.memory_space<hbm>>) dst(%arg7 : memref<32x512xf32, #tpu.memory_space<vmem>>)
    "tpu.region"() ({
      %run_scoped3A = tpu.sem_alloc : memref<!tpu.dma_semaphore, #tpu.memory_space<semaphore_mem>>
      %dma_start3A_12 = arith.constant 0 : i32
      %dma_start3A_13 = tpu.memref_slice %arg4[%min3A_3, %dma_start3A_12] : memref<1000x512xf32, #tpu.memory_space<hbm>> -> memref<32x512xf32, #tpu.memory_space<hbm>>
      %dma_start3A_14 = arith.constant 0 : i32
      %dma_start3A_15 = tpu.memref_slice %arg4[%min3A_3, %dma_start3A_14] : memref<1000x512xf32, #tpu.memory_space<hbm>> -> memref<32x512xf32, #tpu.memory_space<hbm>>
      tpu.enqueue_dma source(%arg7 : memref<32x512xf32, #tpu.memory_space<vmem>>) target(%dma_start3A_15 : memref<32x512xf32, #tpu.memory_space<hbm>>) target_semaphore(%run_scoped3A : memref<!tpu.dma_semaphore, #tpu.memory_space<semaphore_mem>>)
      %dma_wait3A_16 = arith.constant 0 : i32
      %dma_wait3A_17 = tpu.memref_slice %arg4[%min3A_3, %dma_wait3A_16] : memref<1000x512xf32, #tpu.memory_space<hbm>> -> memref<32x512xf32, #tpu.memory_space<hbm>>
      %dma_wait3A_18 = arith.constant 0 : i32
      %dma_wait3A_19 = tpu.memref_slice %arg4[%min3A_3, %dma_wait3A_18] : memref<1000x512xf32, #tpu.memory_space<hbm>> -> memref<32x512xf32, #tpu.memory_space<hbm>>
      tpu.wait_dma2 semaphore(%run_scoped3A : memref<!tpu.dma_semaphore, #tpu.memory_space<semaphore_mem>>) src(%arg7 : memref<32x512xf32, #tpu.memory_space<vmem>>) dst(%dma_wait3A_19 : memref<32x512xf32, #tpu.memory_space<hbm>>)
      tpu.yield
    }) : () -> ()
    %dma_wait3A_10 = tpu.memref_slice %arg5[%min3A_3] : memref<1000xi32, #tpu.memory_space<hbm>> -> memref<32xi32, #tpu.memory_space<hbm>>
    %dma_wait3A_11 = tpu.memref_slice %arg5[%min3A_3] : memref<1000xi32, #tpu.memory_space<hbm>> -> memref<32xi32, #tpu.memory_space<hbm>>
    tpu.wait_dma2 semaphore(%arg9 : memref<!tpu.dma_semaphore, #tpu.memory_space<semaphore_mem>>) src(%arg6 : memref<32xi32, #tpu.memory_space<vmem>>) dst(%dma_wait3A_11 : memref<32xi32, #tpu.memory_space<hbm>>)
    return
  }
}

module attributes {stable_mosaic.version = 14 : i64} {
  func.func @_tc_body(%arg0: i32, %arg1: memref<1000x2048xf32, #tpu.memory_space<vmem>>, %arg2: memref<1000x512xf32, #tpu.memory_space<vmem>>, %arg3: memref<1x512xf32, #tpu.memory_space<vmem>>, %arg4: memref<1x512xf32, #tpu.memory_space<vmem>>, %arg5: memref<2048x512xf32, #tpu.memory_space<vmem>>) attributes {dimension_semantics = [#tpu.dimension_semantics<parallel>], iteration_bounds = array<i64: 8>, scalar_prefetch = 0 : i64, scratch_operands = 0 : i64, tpu.core_type = #tpu.core_type<tc>, window_params = [{transform_indices = @transform_0, window_bounds = array<i64: 1000, 2048>}, {pipeline_mode = #tpu.pipeline_mode<synchronous>, transform_indices = @transform_1, window_bounds = array<i64: 1000, 512>}, {pipeline_mode = #tpu.pipeline_mode<synchronous>, transform_indices = @transform_2, window_bounds = array<i64: 1, 512>}, {pipeline_mode = #tpu.pipeline_mode<synchronous>, transform_indices = @transform_3, window_bounds = array<i64: 1, 512>}, {transform_indices = @transform_4, window_bounds = array<i64: 2048, 512>}]} {
    %get3A = arith.constant 0 : index
    %get3A_0 = arith.constant 0 : index
    %get3A_1 = vector.load %arg1[%get3A, %get3A_0] : memref<1000x2048xf32, #tpu.memory_space<vmem>>, vector<1000x2048xf32>
    %convert_element_type3A = arith.truncf %get3A_1 : vector<1000x2048xf32> to vector<1000x2048xbf16>
    %get3A_2 = arith.constant 0 : index
    %get3A_3 = arith.constant 0 : index
    %get3A_4 = vector.load %arg2[%get3A_2, %get3A_3] : memref<1000x512xf32, #tpu.memory_space<vmem>>, vector<1000x512xf32>
    %convert_element_type3A_5 = arith.truncf %get3A_4 : vector<1000x512xf32> to vector<1000x512xbf16>
    %dot_general3A = arith.constant dense<0.000000e+00> : vector<2048x512xf32>
    %dot_general3A_6 = tpu.matmul %convert_element_type3A, %convert_element_type3A_5, %dot_general3A {dimension_numbers = #tpu.dot_dimension_numbers<[0], [0], [1], [1], [0, 1, 1, 1], [], []>, transpose_lhs_hint = false} : vector<1000x2048xbf16>, vector<1000x512xbf16>, vector<2048x512xf32> -> vector<2048x512xf32>
    %mul3A = arith.constant 5.000000e-01 : f32
    %mul3A_7 = vector.broadcast %mul3A : f32 to vector<2048x512xf32>
    %mul3A_8 = arith.mulf %mul3A_7, %dot_general3A_6 : vector<2048x512xf32>
    %mul3A_9 = arith.constant 0.707106769 : f32
    %mul3A_10 = vector.broadcast %mul3A_9 : f32 to vector<2048x512xf32>
    %mul3A_11 = arith.mulf %dot_general3A_6, %mul3A_10 : vector<2048x512xf32>
    %erf3A = math.erf %mul3A_11 : vector<2048x512xf32>
    %add3A = arith.constant 1.000000e+00 : f32
    %add3A_12 = vector.broadcast %add3A : f32 to vector<2048x512xf32>
    %add3A_13 = arith.addf %add3A_12, %erf3A : vector<2048x512xf32>
    %mul3A_14 = arith.mulf %mul3A_8, %add3A_13 : vector<2048x512xf32>
    %reduce_sum3A = arith.constant dense<0.000000e+00> : vector<2048xf32>
    %reduce_sum3A_15 = vector.multi_reduction <add>, %mul3A_14, %reduce_sum3A [1] : vector<2048x512xf32> to vector<2048xf32>
    %broadcast_in_dim3A = vector.shape_cast %reduce_sum3A_15 : vector<2048xf32> to vector<2048x1xf32>
    %div3A = arith.constant 5.120000e+02 : f32
    %div3A_16 = vector.broadcast %div3A : f32 to vector<2048x1xf32>
    %div3A_17 = arith.divf %broadcast_in_dim3A, %div3A_16 : vector<2048x1xf32>
    %mul3A_18 = arith.mulf %mul3A_14, %mul3A_14 : vector<2048x512xf32>
    %reduce_sum3A_19 = arith.constant dense<0.000000e+00> : vector<2048xf32>
    %reduce_sum3A_20 = vector.multi_reduction <add>, %mul3A_18, %reduce_sum3A_19 [1] : vector<2048x512xf32> to vector<2048xf32>
    %broadcast_in_dim3A_21 = vector.shape_cast %reduce_sum3A_20 : vector<2048xf32> to vector<2048x1xf32>
    %div3A_22 = arith.constant 5.120000e+02 : f32
    %div3A_23 = vector.broadcast %div3A_22 : f32 to vector<2048x1xf32>
    %div3A_24 = arith.divf %broadcast_in_dim3A_21, %div3A_23 : vector<2048x1xf32>
    %mul3A_25 = arith.mulf %div3A_17, %div3A_17 : vector<2048x1xf32>
    %sub3A = arith.subf %div3A_24, %mul3A_25 : vector<2048x1xf32>
    %add3A_26 = arith.constant 9.99999974E-6 : f32
    %add3A_27 = vector.broadcast %add3A_26 : f32 to vector<2048x1xf32>
    %add3A_28 = arith.addf %sub3A, %add3A_27 : vector<2048x1xf32>
    %rsqrt3A = math.rsqrt %add3A_28 : vector<2048x1xf32>
    %sub3A_29 = vector.broadcast %div3A_17 : vector<2048x1xf32> to vector<2048x512xf32>
    %sub3A_30 = arith.subf %mul3A_14, %sub3A_29 : vector<2048x512xf32>
    %get3A_31 = arith.constant 0 : index
    %get3A_32 = arith.constant 0 : index
    %get3A_33 = vector.load %arg3[%get3A_31, %get3A_32] : memref<1x512xf32, #tpu.memory_space<vmem>>, vector<1x512xf32>
    %mul3A_34 = vector.broadcast %rsqrt3A : vector<2048x1xf32> to vector<2048x512xf32>
    %mul3A_35 = vector.broadcast %get3A_33 : vector<1x512xf32> to vector<2048x512xf32>
    %mul3A_36 = arith.mulf %mul3A_34, %mul3A_35 : vector<2048x512xf32>
    %mul3A_37 = arith.mulf %sub3A_30, %mul3A_36 : vector<2048x512xf32>
    %get3A_38 = arith.constant 0 : index
    %get3A_39 = arith.constant 0 : index
    %get3A_40 = vector.load %arg4[%get3A_38, %get3A_39] : memref<1x512xf32, #tpu.memory_space<vmem>>, vector<1x512xf32>
    %add3A_41 = vector.broadcast %get3A_40 : vector<1x512xf32> to vector<2048x512xf32>
    %add3A_42 = arith.addf %mul3A_37, %add3A_41 : vector<2048x512xf32>
    %swap3A = arith.constant 0 : index
    %swap3A_43 = arith.constant 0 : index
    %swap3A_44 = vector.load %arg5[%swap3A, %swap3A_43] : memref<2048x512xf32, #tpu.memory_space<vmem>>, vector<2048x512xf32>
    tpu.vector_store %arg5[%swap3A, %swap3A_43], %add3A_42 {strides = array<i32>} : memref<2048x512xf32, #tpu.memory_space<vmem>>, vector<2048x512xf32>,
    return
  }
  func.func @transform_0(%arg0: i32) -> (i32, i32) {
    %c0_i32 = arith.constant 0 : i32
    %c0_i32_0 = arith.constant 0 : i32
    return %c0_i32, %arg0 : i32, i32
  }
  func.func @transform_1(%arg0: i32) -> (i32, i32) {
    %c0_i32 = arith.constant 0 : i32
    %c0_i32_0 = arith.constant 0 : i32
    %c0_i32_1 = arith.constant 0 : i32
    return %c0_i32, %c0_i32_0 : i32, i32
  }
  func.func @transform_2(%arg0: i32) -> (i32, i32) {
    %c0_i32 = arith.constant 0 : i32
    %c0_i32_0 = arith.constant 0 : i32
    %c0_i32_1 = arith.constant 0 : i32
    return %c0_i32, %c0_i32_0 : i32, i32
  }
  func.func @transform_3(%arg0: i32) -> (i32, i32) {
    %c0_i32 = arith.constant 0 : i32
    %c0_i32_0 = arith.constant 0 : i32
    %c0_i32_1 = arith.constant 0 : i32
    return %c0_i32, %c0_i32_0 : i32, i32
  }
  func.func @transform_4(%arg0: i32) -> (i32, i32) {
    %c0_i32 = arith.constant 0 : i32
    %c0_i32_0 = arith.constant 0 : i32
    return %arg0, %c0_i32 : i32, i32
  }
}

</mosaic_0001>

<sc_bundles>
// kernel: kernel.4.cloned.1.call-start
scs
__scs_entry_jumppad:
0x0: {  	(pc) =	sbr.rel $0x88, $3  }
0x1: {  	(tag) =	ssettag $0x0;
	lr =	simm.s32 $0x1  }
0x2: {  	[smem:$0x3F9C] =	sst lr;
	_ =	strace $0xD0000000  }
0x3: {  	_ = 	snop  }
0x4: {  	_ = 	snop  }
0x5: {  	_ = 	snop  }
0x6: {  	_ = 	snop  }
0x7: {  	_ = 	snop  }
__scs_overlays_trampoline_lowered:
0x8: {  	[smem:$0x3FAB] =	sst s0  }
0x9: {  	[smem:$0x3FAC] =	sst s1  }
0xa: {  	[smem:$0x3FAD] =	sst s2  }
0xb: {  	[smem:$0x3FAE] =	sst s3  }
0xc: {  	[smem:$0x3FAF] =	sst s4  }
0xd: {  	[smem:$0x3FB0] =	sst s5  }
0xe: {  	[smem:$0x3FB1] =	sst s6  }
0xf: {  	[smem:$0x3FB2] =	sst s7  }
0x10: {  	[smem:$0x3FB3] =	sst s8  }
0x11: {  	[smem:$0x3FB4] =	sst s9;
	s0 =	simm.s32 @!p0 $0x0  }
0x12: {  	s1 =	sld [smem:$0x3F9A];
	s0 =	simm.s32 @p0 $0x1  }
0x13: {  	[smem:$0x3FB5] =	sst s0;
	s0 =	simm.s32 @!p1 $0x0  }
0x14: {  	s2 =	sld [smem:$0x3F99];
	s0 =	simm.s32 @p1 $0x1  }
0x15: {  	[smem:$0x3FB6] =	sst s0;
	s0 =	simm.s32 @!p2 $0x0  }
0x16: {  	s3 =	sld [smem:$0x3FDB];
	s0 =	simm.s32 @p2 $0x1  }
0x17: {  	s4 =	simm.s32 $0x1BF5;
	[smem:$0x3FB8] =	sst s0  }
0x18: {  	s0 =	sld [smem:$0x3F9B];
	_ =	swait.ge [sflag:s4], $0x0  }
0x19: {  	s7 =	sld [smem:$0x3F9C]  }
0x1a: {  	s8 =	sadd.s32 $0xFFFFE003, lr  }
0x1b: {  	s9 =	sadd.s32 $0xFFFFFEF7, lr;
	s5 =	simm.s32 $0xFFFFFFFF;
	p2 =	slt.u32 s8, $0xFFFFF086  }
0x1c: {  	p1 =	slt.u32 s9, $0xF7A;
	s5 =	simm.s32 @!p2 $0x0  }
0x1d: {  	s5 =	simm.s32 @p1 $0x1;
	p0 =	seq.s32 s7, s2  }
0x1e: {  	s7 =	smul.u32 @!p0 $0xF7A, s2;
	p2 =	seq.s32 @!p0 s5, $0x0  }
0x1f: {  	s9 =	smul.u32 $0xF7A, s1;
	s8 =	simm.s32 @!p0 $0x1BF5;
	p2 =	por !p2, p0  }
0x20: {  	[sflag:s8] =	ssyncset.s32 @!p0 $0xFFFFF086;
	s6 =	sadd.s32 @!p0 s3, s7;
	s7 =	simm.s32 @!p0 $0x108  }
0x21: {  	s3 =	sadd.s32 s3, s9;
	s6 =	sadd.s32 @!p0 $0x88, s6;
	s7 =	simm.s32 @p2 $0x1082  }
0x22: {  	[simem:s7], [sflag:s8] =	dma.local @!p0 [hbm:s6], $0xF7A  }
0x23: {  	s9 =	sor.u32 $0xD0000000, s2;
	s6 =	simm.s32 $0x108;
	_ =	swait.ge @!p0 [sflag:s8], $0x0  }
0x24: {  	s3 =	sadd.s32 $0x88, s3;
	s6 =	simm.s32 @!p1 $0x1082;
	[sflag:s4] =	ssyncset.s32 $0xFFFFF086  }
0x25: {  	[simem:s6], [sflag:s4] =	dma.local [hbm:s3], $0xF7A  }
0x26: {  	[smem:$0x3F9C] =	sst s1;
	(tag) =	ssettag s2;
	_ =	strace s9  }
0x27: {  	s1 =	sld [smem:$0x3FAC]  }
0x28: {  	s2 =	sld [smem:$0x3FAD]  }
0x29: {  	s4 =	sld [smem:$0x3FAF]  }
0x2a: {  	p0 =	seq.s32 s5, $0x0;
	s5 =	sld [smem:$0x3FB0]  }
0x2b: {  	s6 =	sld [smem:$0x3FB1]  }
0x2c: {  	s7 =	sld [smem:$0x3FB2]  }
0x2d: {  	s3 =	simm.s32 $0x108;
	s8 =	sld [smem:$0x3FB3]  }
0x2e: {  	s3 =	simm.s32 @!p0 $0x1082;
	s9 =	sld [smem:$0x3FB4]  }
0x2f: {  	lr =	sadd.s32 s0, s3;
	s0 =	sld [smem:$0x3FAB]  }
0x30: {  	s3 =	sld [smem:$0x3FAE]  }
0x31: {  	[smem:$0x3FB7] =	sst s10  }
0x32: {  	s10 =	sld [smem:$0x3FB5];
	_ =	sdelay $0x3  }
0x33: {  	p0 =	seq.s32 s10, $0x1;
	s10 =	sld [smem:$0x3FB7];
	_ =	sdelay $0x3  }
0x34: {  	[smem:$0x3FB7] =	sst s10  }
0x35: {  	s10 =	sld [smem:$0x3FB6];
	_ =	sdelay $0x3  }
0x36: {  	p1 =	seq.s32 s10, $0x1;
	s10 =	sld [smem:$0x3FB7];
	_ =	sdelay $0x3  }
0x37: {  	[smem:$0x3FB7] =	sst s10  }
0x38: {  	s10 =	sld [smem:$0x3FB8]  }
0x39: {  	_ = 	snop;
	(pc) =	sbr.ind lr, $3  }
0x3a: {  	_ = 	snop  }
0x3b: {  	_ = 	snop  }
0x3c: {  	p2 =	seq.s32 s10, $0x1;
	s10 =	sld [smem:$0x3FB7]  }
0x3d: {  	_ =	shalt  }
0x3e: {  	_ =	shalt  }
0x3f: {  	_ =	shalt  }
0x40: {  	_ =	shalt  }
0x41: {  	_ =	shalt  }
0x42: {  	_ =	shalt  }
0x43: {  	_ =	shalt  }
0x44: {  	_ =	shalt  }
0x45: {  	_ =	shalt  }
0x46: {  	_ =	shalt  }
0x47: {  	_ =	shalt  }
0x48: {  	_ =	shalt  }
0x49: {  	_ =	shalt  }
0x4a: {  	_ =	shalt  }
0x4b: {  	_ =	shalt  }
0x4c: {  	_ =	shalt  }
0x4d: {  	_ =	shalt  }
0x4e: {  	_ =	shalt  }
0x4f: {  	_ =	shalt  }
0x50: {  	_ =	shalt  }
0x51: {  	_ =	shalt  }
0x52: {  	_ =	shalt  }
0x53: {  	_ =	shalt  }
0x54: {  	_ =	shalt  }
0x55: {  	_ =	shalt  }
0x56: {  	_ =	shalt  }
0x57: {  	_ =	shalt  }
0x58: {  	_ =	shalt  }
0x59: {  	_ =	shalt  }
0x5a: {  	_ =	shalt  }
0x5b: {  	_ =	shalt  }
0x5c: {  	_ =	shalt  }
0x5d: {  	_ =	shalt  }
0x5e: {  	_ =	shalt  }
0x5f: {  	_ =	shalt  }
0x60: {  	_ =	shalt  }
0x61: {  	_ =	shalt  }
0x62: {  	_ =	shalt  }
0x63: {  	_ =	shalt  }
0x64: {  	_ =	shalt  }
0x65: {  	_ =	shalt  }
0x66: {  	_ =	shalt  }
0x67: {  	_ =	shalt  }
0x68: {  	_ =	shalt  }
0x69: {  	_ =	shalt  }
0x6a: {  	_ =	shalt  }
0x6b: {  	_ =	shalt  }
0x6c: {  	_ =	shalt  }
0x6d: {  	_ =	shalt  }
0x6e: {  	_ =	shalt  }
0x6f: {  	_ =	shalt  }
0x70: {  	_ =	shalt  }
0x71: {  	_ =	shalt  }
0x72: {  	_ =	shalt  }
0x73: {  	_ =	shalt  }
0x74: {  	_ =	shalt  }
0x75: {  	_ =	shalt  }
0x76: {  	_ =	shalt  }
0x77: {  	_ =	shalt  }
0x78: {  	_ =	shalt  }
0x79: {  	_ =	shalt  }
0x7a: {  	_ =	shalt  }
0x7b: {  	_ =	shalt  }
0x7c: {  	_ =	shalt  }
0x7d: {  	_ =	shalt  }
0x7e: {  	_ =	shalt  }
0x7f: {  	_ =	shalt  }
0x80: {  	_ =	shalt  }
0x81: {  	_ =	shalt  }
0x82: {  	_ =	shalt  }
0x83: {  	_ =	shalt  }
0x84: {  	_ =	shalt  }
0x85: {  	_ =	shalt  }
0x86: {  	_ =	shalt  }
0x87: {  	_ =	shalt  }
.Lfunc_end0:
.L_simem_size_0:
called_computation_lowered:
.L_overlay_start_0:
0x88: {  	s2 =	sld [smem:$0x3FD9]  }
0x89: {  	s3 =	sld [smem:$0x3FFE];
	_ =	sdelay $0x1  }
0x8a: {  	s1 =	srdreg.scid  }
0x8b: {  	s0 =	sand.u32 $0x1, s1  }
0x8c: {  	s15 =	sshll.u32 s0, $0xA;
	s2 =	sadd.s32 s3, s2  }
0x8d: {  	s2 =	sadd.s32 s2, s15  }
0x8e: {  	[smem:$0x3FC3] =	sst s2  }
0x8f: {  	_ = 	snop  }
0x90: {  	s2 =	sld [smem:$0x3FD0];
	_ =	sdelay $0x1  }
0x91: {  	s16 =	sld [smem:$0x3FC8]  }
0x92: {  	s5 =	simm.s32 $0xA;
	s6 =	simm.s32 $0x10;
	s4 =	sld [smem:$0x3FC7]  }
0x93: {  	[smem:s6], [sflag:s5] =	dma.local [hbm:s2], $0x1  }
0x94: {  	_ =	swait.eq [sflag:s5], $0x1  }
0x95: {  	[sflag:s5] =	ssyncset.done $0x0  }
0x96: {  	s17 =	sld [smem:$0x10];
	[sflag:s5] =	ssyncadd.s32 $0xFFFFFFFF  }
0x97: {  	s18 =	sld [smem:$0x11];
	(tm) =	ssettm $0x1  }
0x98: {  	s19 =	sld [smem:$0x3FFB];
	_ =	sdelay $0x3  }
0x99: {  	_ =	strace s19  }
0x9a: {  	s6 =	sld [smem:$0x3FFC];
	_ =	sdelay $0x3  }
0x9b: {  	_ =	strace s6  }
0x9c: {  	s6 =	sld [smem:$0x3FFD];
	_ =	sdelay $0x3  }
0x9d: {  	_ =	strace s6  }
0x9e: {  	_ =	strace $0x8FFFFFFF  }
0x9f: {  	s20 =	sld [smem:$0x3FDB];
	_ =	sdelay $0x1  }
0xa0: {  	s7 =	simm.s32 $_scs_section_size  }
0xa1: {  	s8 =	simm.s32 $_size__tile_overlayer_lowered;
	s9 =	simm.s32 $_tile_overlayer_lowered  }
0xa2: {  	s23 =	simm.s32 $0x1BFF;
	s22 =	sshll.u32 s9, $0x1;
	s6 =	sadd.s32 s7, s20  }
0xa3: {  	s10 =	simm.s32 $0x0;
	s21 =	sshll.u32 s8, $0x1;
	s8 =	sadd.s32 s22, s6  }
0xa4: {  	[timem:s10], [sflag:s23] =	dma.local [hbm:s8], s21  }
0xa5: {  	_ =	swait.ge [sflag:s23], s21  }
0xa6: {  	s7 =	ssub.s32 $0x0, s21;
	[sflag:s23] =	ssyncset.done $0x0  }
0xa7: {  	[sflag:s23] =	ssyncadd.s32 s7;
	_ =	sdelay $0x1  }
0xa8: {  	s24 =	simm.s32 $0x1B8B  }
0xa9: {  	_ =	swait.ge [sflag:s24], $0x1  }
0xaa: {  	[sflag:s24] =	ssyncset.done $0x0  }
0xab: {  	s25 =	simm.s32 $0x1B8E;
	[sflag:s24] =	ssyncadd.s32 $0xFFFFFFFF  }
0xac: {  	s26 =	simm.s32 $execute0_lowered;
	[smem:$0x3FD2] =	sst s25  }
0xad: {  	s7 =	sshll.u32 s26, $0x1;
	_ =	strace $0x80000046;
	[dreg:$0x1] =	wrdreg $0xFFFFFFFF  }
0xae: {  	s28 =	simm.s32 $_size_execute0_lowered;
	s6 =	sadd.s32 s6, s7;
	[dreg:$0x0] =	wrdreg $0x0  }
0xaf: {  	s7 =	sshll.u32 s28, $0x1;
	[dreg:$0x2] =	wrdreg s6  }
0xb0: {  	[dreg:$0x3] =	wrdreg s7  }
0xb1: {  	[dreg:$0x4] =	wrdreg $0xC0  }
0xb2: {  	_ =	task [dreg:s10], $0x5FFFF  }
0xb3: {  	[dreg:$0x1] =	wrdreg $0xFFFFFFFF  }
0xb4: {  	[dreg:$0x0] =	wrdreg $0x60  }
0xb5: {  	[dreg:$0x2] =	wrdreg s4  }
0xb6: {  	[dreg:$0x3] =	wrdreg s16  }
0xb7: {  	[dreg:$0x4] =	wrdreg s17  }
0xb8: {  	[dreg:$0x5] =	wrdreg s18  }
0xb9: {  	[dreg:$0x6] =	wrdreg $0x9  }
0xba: {  	_ =	task.clear_ibuf [dreg:s10], $0x7FFFF;
	_ =	strace $0x90000046  }
0xbb: {  	s29 =	simm.s32 $0x9;
	_ =	strace $0x80000048  }
0xbc: {  	_ =	swait.ge [sflag:s29], $0x1  }
0xbd: {  	[sflag:s29] =	ssyncadd.s32 $0xFFFFFFFF  }
0xbe: {  	_ =	strace $0x90000048  }
0xbf: {  	_ =	sfence  }
0xc0: {  	s30 =	sld [smem:$0x0];
	_ =	sdelay $0x2  }
0xc1: {  	s31 =	sshll.u32 s1, $0xD;
	s1 =	sshrl.u32 s1, $0x2  }
0xc2: {  	s3 =	sand.u32 $0x4000, s31;
	s1 =	sadd.s32 s1, s30  }
0xc3: {  	s0 =	sor.u32 s3, s0;
	s1 =	sshll.u32 s1, $0x11  }
0xc4: {  	s0 =	sor.u32 s1, s0  }
0xc5: {  	s0 =	sadd.s32 $0x8F2B, s0  }
0xc6: {  	[sflag:s0] =	ssyncadd.remote.s32 $0x1  }
0xc7: {  	_ =	sfence.sel $0xFFFF  }
0xc8: {  	[dreg:$0x0] =	wrdreg $0xFFFFFFFF;
	(pc) =	sbr.abs _section_cstart, $3  }
0xc9: {  	[dreg:$0x1] =	wrdreg $0xFFFFFFFF  }
0xca: {  	_ =	task.clear_ibuf [dreg:s10], $0x2FFFF;
	_ =	strace $0x9FFFFFFF  }
0xcb: {  	(tm) =	ssettm $0x7FFFFFFF  }
tec
execute0_lowered:
.L_overlay_start_1:
0x0: {  	(tag) =	ssettag $0x1  }
0x1: {  	s1 =	rddreg [dreg:$0x0]  }
0x2: {  	s4 =	rddreg [dreg:$0x1]  }
0x3: {  	s2 =	srdreg.scid;
	s7 =	rddreg [dreg:$0x2]  }
0x4: {  	s0 =	stileid.u32;
	s6 =	rddreg [dreg:$0x3]  }
0x5: {  	s3 =	simm.s32 $0x0;
	s11 =	simm.s32 $0x880;
	s12 =	simm.s32 $0x1080  }
0x6: {  	s13 =	simm.s32 $0x1880;
	s14 =	simm.s32 $0x2080;
	s15 =	simm.s32 $0x2880  }
0x7: {  	s16 =	simm.s32 $0x3080;
	s17 =	simm.s32 $0x3880;
	s5 =	sand.u32 $0x1, s2  }
0x8: {  	s18 =	simm.s32 $0x1;
	s8 =	sshll.u32 s0, $0x6;
	s9 =	sshll.u32 s5, $0x5  }
0x9: {  	s19 =	simm.s32 $0x2;
	s2 =	rddreg [dreg:$0x4];
	s8 =	sor.u32 s9, s8  }
0xa: {  	[smem:$0x7FF] =	sst s3;
	s5 =	ssub.s32 $0x2, s5;
	s8 =	smin.u32 s8, $0x3C8  }
0xb: {  	_ =	strace $0x80000047;
	s31 =	sshrl.u32 s5, $0x1;
	s10 =	sshrl.u32 s8, $0x3  }
0xc: {  	v2 =	vlaneseq.u32;
	s9 =	ssub.s32 s5, s31;
	s8 =	sshll.u32 s8, $0x6;
	s4 =	sadd.s32 s4, s10  }
0xd: {  	vm0 =	vmmov $0xffff;
	v1 =	vshrl.u32 v2, $0x3;
	s5 =	sadd.s32 s6, s10;
	s6 =	sadd.s32 $0x100, s1;
	s7 =	sadd.s32 s7, s8  }
0xe: {  	v0 =	vand.u32 $0x7, v2;
	v2 =	vor.u32 $0x8, v2;
	v1 =	vmul.u32 $0x8, v1;
	s8 =	smax.u32 s9, $0x1;
	s9 =	simm.s32 $0x3;
	s10 =	simm.s32 $0x80  }
.LBB2_1:
0xf: {  	[tilespmem:s3], [sflag:$0x3] =	stream.linear.gather [hbm4b:s4+s3], $0x20, $0x38;
	[tilespmem:$0x4080] =	vst v63  }
0x10: {  	_ =	swait.ge [sflag:s9], $0x20  }
0x11: {  	[sflag:s9] =	ssyncset.done $0x0  }
0x12: {  	[sflag:s9] =	ssyncadd.s32 $0xFFFFFFE0  }
0x13: {  	[hbm4b:s5+s3] =	stream.linear.scatter [tilespmem:s3], [sflag:$0x2], $0x20, $0x38;
	[tilespmem:$0x4080] =	vst v63  }
0x14: {  	v3 =	vld [tilespmem:$0x0];
	_ =	sdelay $0x4  }
0x15: {  	v4 =	vshll.u32 v3, $0x2  }
0x16: {  	v3 =	vand.u32 $0x7, v3;
	v4 =	vand.u32 $0xFFFFFFE0, v4  }
0x17: {  	v3 =	vor.u32 v3, v4  }
0x18: {  	v4 =	vperm.xlane v3, v0;
	_ =	sdelay $0x1  }
0x19: {  	v4 =	vadd.s32 v1, v4;
	_ =	sdelay $0x1  }
0x1a: {  	v3 =	vperm.xlane v3, v2;
	_ =	sdelay $0x1  }
0x1b: {  	v3 =	vadd.s32 v1, v3  }
0x1c: {  	[tilespmem:s10], [sflag:$0x1] =	stream.indirect_vreg.gather [hbm4b:s1+s3], $0x80, v4, vm0, $0xb8;
	[tilespmem:$0x4080] =	vst v63  }
0x1d: {  	_ = 	snop  }
0x1e: {  	[tilespmem:s11], [sflag:$0x1] =	stream.indirect_vreg.gather [hbm4b:s6+s3], $0x80, v4, vm0, $0xb8;
	[tilespmem:$0x4080] =	vst v63  }
0x1f: {  	_ = 	snop  }
0x20: {  	[tilespmem:s12], [sflag:$0x1] =	stream.indirect_vreg.gather [hbm4b:s1+s3], $0x80, v3, vm0, $0xb8;
	[tilespmem:$0x4080] =	vst v63  }
0x21: {  	_ = 	snop  }
0x22: {  	[tilespmem:s13], [sflag:$0x1] =	stream.indirect_vreg.gather [hbm4b:s6+s3], $0x80, v3, vm0, $0xb8;
	[tilespmem:$0x4080] =	vst v63  }
0x23: {  	v3 =	vld [tilespmem:$0x10];
	_ =	sdelay $0x4  }
0x24: {  	v63 =	vshll.u32 v3, $0x2  }
0x25: {  	v3 =	vand.u32 $0x7, v3;
	v4 =	vand.u32 $0xFFFFFFE0, v63  }
0x26: {  	v3 =	vor.u32 v3, v4  }
0x27: {  	v4 =	vperm.xlane v3, v0;
	_ =	sdelay $0x1  }
0x28: {  	v4 =	vadd.s32 v1, v4;
	_ =	sdelay $0x1  }
0x29: {  	v3 =	vperm.xlane v3, v2;
	_ =	sdelay $0x1  }
0x2a: {  	v3 =	vadd.s32 v1, v3  }
0x2b: {  	[tilespmem:s14], [sflag:$0x1] =	stream.indirect_vreg.gather [hbm4b:s1+s3], $0x80, v4, vm0, $0xb8;
	[tilespmem:$0x4080] =	vst v63  }
0x2c: {  	_ = 	snop  }
0x2d: {  	[tilespmem:s15], [sflag:$0x1] =	stream.indirect_vreg.gather [hbm4b:s6+s3], $0x80, v4, vm0, $0xb8;
	[tilespmem:$0x4080] =	vst v63  }
0x2e: {  	_ = 	snop  }
0x2f: {  	[tilespmem:s16], [sflag:$0x1] =	stream.indirect_vreg.gather [hbm4b:s1+s3], $0x80, v3, vm0, $0xb8;
	[tilespmem:$0x4080] =	vst v63  }
0x30: {  	_ = 	snop  }
0x31: {  	[tilespmem:s17], [sflag:$0x1] =	stream.indirect_vreg.gather [hbm4b:s6+s3], $0x80, v3, vm0, $0xb8;
	[tilespmem:$0x4080] =	vst v63  }
0x32: {  	_ =	swait.ge [sflag:s18], $0x4000  }
0x33: {  	[sflag:s18] =	ssyncset.done $0x0  }
0x34: {  	[sflag:s18] =	ssyncadd.s32 $0xFFFFC000  }
0x35: {  	[hbm4b:s7+s3] =	stream.linear.scatter [tilespmem:s10], [sflag:$0x3], $0x4000, $0x38;
	[tilespmem:$0x4080] =	vst v63  }
0x36: {  	p0 =	sne.s32 s8, $0x1;
	_ =	swait.ge [sflag:s9], $0x4000  }
.Ltmp0:
0x37: {  	[sflag:s9] =	ssyncset.done $0x0;
	(pc) =	sbr.rel @p0 .LBB2_1-.Ltmp0, $4  }
0x38: {  	[sflag:s9] =	ssyncadd.s32 $0xFFFFC000  }
0x39: {  	_ =	swait.ge [sflag:s19], $0x20  }
0x3a: {  	[sflag:s19] =	ssyncset.done $0x0  }
0x3b: {  	s8 =	sadd.s32 $0xFFFFFFFF, s8;
	[sflag:s19] =	ssyncadd.s32 $0xFFFFFFE0  }
0x3c: {  	_ =	sfence.sel $0x180000  }
0x3d: {  	[bflag:$0x0] =	sbarrier.arrive $0xFFFF  }
0x3e: {  	p0 =	sne.s32 s0, $0x0;
	_ =	strace $0x90000047  }
0x3f: {  	s0 =	sadd.s32 @!p0 $0x100000, s2;
	[bflag:$0x2] =	sbarrier.arrive $0xFFFF  }
0x40: {  	[sflag:s0] =	ssyncadd.tile.s32 @!p0 $0x1;
	_ =	shalt  }
.Lfunc_end2:
_tile_overlayer_lowered:
.L_overlay_start_2:
0x41: {  	(tag) =	ssettag $0x2  }
0x42: {  	s0 =	rddreg [dreg:$0x0];
	s2 =	stileid.u32  }
0x43: {  	s1 =	rddreg [dreg:$0x1];
	p0 =	sne.s32 s2, $0x0  }
0x44: {  	s3 =	rddreg [dreg:$0x2];
	[bflag:$0x3] =	sbarrier.arrive $0xFFFF;
	s2 =	simm.s32 @!p0 $0x1C03  }
0x45: {  	[timem:s3], [sflag:s2] =	dma.local @!p0 [hbm:s0], s1  }
0x46: {  	s0 =	simm.s32 @!p0 $0x3  }
0x47: {  	_ =	swait.ge @!p0 [sflag:s0], s1  }
0x48: {  	s1 =	ssub.s32 @!p0 $0x0, s1;
	[sflag:s0] =	ssyncset.done @!p0 $0x0  }
0x49: {  	[sflag:s0] =	ssyncadd.s32 @!p0 s1  }
0x4a: {  	[bflag:$0x3] =	sbarrier.arrive $0xFFFF  }
0x4b: {  	_ =	shalt  }

</sc_bundles>
